<compile_context>
chip_gen: v7x
topology: tpu7x:2x2x1
jax: 0.10.2.dev20260603
libtpu: 0.0.44.dev20260713+nightly
codegen_flags: <defaults>
</compile_context>

<pallas_src>
import functools

import jax
import jax.numpy as jnp
from jax import lax
from jax.experimental import pallas as pl
from jax.experimental.pallas import tpu as pltpu
from jax.experimental.pallas import tpu_sc as plsc

NC = 2
NS = 16
NW = NC * NS
L = 16
TILE = 2560
GROUPS = TILE // L
UNROLL = 4


def _sc_partials(pred_t, true_t, seg, *, n, m_pad):
    n_tiles = n // TILE
    tiles_lo = n_tiles // NW
    extra = n_tiles - tiles_lo * NW

    mesh = plsc.VectorSubcoreMesh(
        core_axis_name="c", subcore_axis_name="s",
        num_cores=NC, num_subcores=NS,
    )

    @functools.partial(
        pl.kernel,
        out_type=jax.ShapeDtypeStruct((NW, m_pad), jnp.float32),
        mesh=mesh,
        scratch_types=[
            pltpu.VMEM((m_pad,), jnp.float32),
            pltpu.VMEM((3, TILE), jnp.float32),
            pltpu.VMEM((3, TILE), jnp.float32),
            pltpu.VMEM((3, TILE), jnp.float32),
            pltpu.VMEM((3, TILE), jnp.float32),
            pltpu.VMEM((TILE + L,), jnp.int32),
            pltpu.VMEM((TILE + L,), jnp.int32),
            pltpu.SemaphoreType.DMA,
            pltpu.SemaphoreType.DMA,
        ],
        compiler_params=pltpu.CompilerParams(needs_layout_passes=False),
    )
    def kern(pred_hbm, true_hbm, seg_hbm, out_hbm, acc, pbuf0, pbuf1,
             tbuf0, tbuf1, sbuf0, sbuf1, sem0, sem1):
        wid = lax.axis_index("s") * NC + lax.axis_index("c")
        n_extra = jnp.minimum(wid, extra)
        base_t = n_extra * (tiles_lo + 1) + (wid - n_extra) * tiles_lo
        cnt = jnp.where(wid < extra, tiles_lo + 1, tiles_lo)
        pbufs = (pbuf0, pbuf1)
        tbufs = (tbuf0, tbuf1)
        sbufs = (sbuf0, sbuf1)
        sems = (sem0, sem1)

        lane = lax.broadcasted_iota(jnp.int32, (L,), 0)
        is_last = lane == (L - 1)
        not_last = jnp.logical_not(is_last)

        zeros = jnp.zeros((L,), jnp.float32)

        @functools.partial(plsc.parallel_loop, 0, m_pad // L, unroll=8)
        def _zero(i):
            acc[pl.ds(i * L, L)] = zeros

        def start(slot, t):
            a = t * TILE
            sem = sems[slot]
            pltpu.async_copy(pred_hbm.at[:, pl.ds(a, TILE)], pbufs[slot], sem)
            pltpu.async_copy(true_hbm.at[:, pl.ds(a, TILE)], tbufs[slot], sem)
            pltpu.async_copy(seg_hbm.at[pl.ds(a, TILE)],
                             sbufs[slot].at[pl.ds(0, TILE)], sem)

        def wait(slot):
            sem = sems[slot]
            pltpu.make_async_copy(pred_hbm.at[:, pl.ds(0, TILE)],
                                  pbufs[slot], sem).wait()
            pltpu.make_async_copy(true_hbm.at[:, pl.ds(0, TILE)],
                                  tbufs[slot], sem).wait()
            pltpu.make_async_copy(seg_hbm.at[pl.ds(0, TILE)],
                                  sbufs[slot].at[pl.ds(0, TILE)], sem).wait()

        def compute(slot):
            pb, tb, sb = pbufs[slot], tbufs[slot], sbufs[slot]

            def one_group(g):
                a0 = g * L
                p0 = pb[0, pl.ds(a0, L)]
                p1 = pb[1, pl.ds(a0, L)]
                p2 = pb[2, pl.ds(a0, L)]
                q0 = tb[0, pl.ds(a0, L)]
                q1 = tb[1, pl.ds(a0, L)]
                q2 = tb[2, pl.ds(a0, L)]
                d0 = p0 - q0
                d1 = p1 - q1
                d2 = p2 - q2
                e = d0 * d0 + d1 * d1 + d2 * d2
                s = sb[pl.ds(a0, L)]
                sn = sb[pl.ds(a0 + 1, L)]
                csum = plsc.cumsum(e)
                bnd = s != sn
                m_end = jnp.logical_or(bnd, is_last)
                m_sub = jnp.logical_and(bnd, not_last)
                plsc.addupdate_scatter(acc, [s], csum, mask=m_end)
                plsc.addupdate_scatter(acc, [sn], -csum, mask=m_sub)

            @functools.partial(plsc.parallel_loop, 0, GROUPS,
                               unroll=UNROLL)
            def _groups(g):
                one_group(g)

        start(0, base_t)

        def pair(i, _):
            t0 = base_t + 2 * i
            start(1, t0 + 1)
            wait(0)
            compute(0)

            @pl.when(2 * i + 2 < cnt)
            def _s():
                start(0, t0 + 2)

            wait(1)
            compute(1)
            return _

        lax.fori_loop(0, cnt // 2, pair, None)

        @pl.when(cnt % 2 == 1)
        def _tail():
            wait(0)
            compute(0)

        pltpu.sync_copy(acc, out_hbm.at[wid])

    return kern(pred_t, true_t, seg)


def _tc_combine(parts, counts_pad, *, m_pad, block):

    def body(parts_ref, cnt_ref, o_ref):
        o_ref[...] = (
            jnp.sum(parts_ref[...], axis=0, keepdims=True) / cnt_ref[...]
        )

    return pl.pallas_call(
        body,
        grid=(m_pad // block,),
        in_specs=[
            pl.BlockSpec((NW, block), lambda i: (0, i)),
            pl.BlockSpec((1, block), lambda i: (0, i)),
        ],
        out_specs=pl.BlockSpec((1, block), lambda i: (0, i)),
        out_shape=jax.ShapeDtypeStruct((1, m_pad), jnp.float32),
    )(parts, counts_pad.reshape(1, m_pad))


def kernel(predicted, true, atomic_subsystem_indices, atomic_subsystem_counts):
    n, d = predicted.shape
    assert d == 3 and n % TILE == 0
    m = atomic_subsystem_counts.shape[0]
    m_pad = ((m + 1023) // 1024) * 1024

    parts = _sc_partials(predicted.T, true.T, atomic_subsystem_indices,
                         n=n, m_pad=m_pad)

    return parts[0, :m]

# --- scband reference (transcript-rebuilt; emitter-appended) ---
"""Pipeline reference for scband-per-atom-to-per-molecule-error-45217415693053 (READ-ONLY COPY).

The authoritative reference and input builder live on the scoring server;
editing this copy changes nothing except your own understanding.
"""

import jax, jax.numpy as jnp
import numpy as np

N = 1_600_000  # total atoms
M = 50_000     # molecules
D = 3          # per-atom vector components


def setup_inputs(seed: int = 0) -> dict:
    key = jax.random.key(seed)
    k1, k2, k3 = jax.random.split(key, 3)
    predicted = jax.random.normal(k1, (N, D), dtype=jnp.float32)
    true = jax.random.normal(k2, (N, D), dtype=jnp.float32)
    seg = jnp.sort(jax.random.randint(k3, (N,), 0, M)).astype(jnp.int32)
    # atomic_subsystem_counts must be consistent with the segment ids
    counts = jnp.maximum(jnp.bincount(seg, length=M), 1).astype(jnp.float32)
    return {
        "predicted": predicted,
        "true": true,
        "atomic_subsystem_indices": seg,
        "atomic_subsystem_counts": counts,
    }


def reference(predicted, true, atomic_subsystem_indices, atomic_subsystem_counts):
    # per-atom squared L2 error: torch.norm(predicted - true, dim=1) ** 2
    per_atom_squared_error = jnp.linalg.norm(predicted - true, axis=1) ** 2
    # scatter_sum over molecule ids
    per_molecule_squared_error = jax.ops.segment_sum(
        per_atom_squared_error, atomic_subsystem_indices, num_segments=M
    )
    per_molecule_square_error_scaled = (
        per_molecule_squared_error / atomic_subsystem_counts
    )
    return per_molecule_square_error_scaled

if __name__ == "__main__":
    import jax
    _d = setup_inputs()
    print(jax.jit(kernel)(*tuple(_d.values())))

</pallas_src>

<mosaic_0001>
#map = affine_map<(d0, d1) -> (0, 0)>
#map1 = affine_map<(d0, d1) -> (0)>
module attributes {stable_mosaic.version = 14 : i64} {
  func.func @kern(%arg0: i32, %arg1: i32, %arg2: memref<3x1600000xf32, #tpu.memory_space<hbm>>, %arg3: memref<3x1600000xf32, #tpu.memory_space<hbm>>, %arg4: memref<1600000xi32, #tpu.memory_space<hbm>>, %arg5: memref<32x50176xf32, #tpu.memory_space<hbm>>, %arg6: memref<50176xf32, #tpu.memory_space<vmem>>, %arg7: memref<3x2560xf32, #tpu.memory_space<vmem>>, %arg8: memref<3x2560xf32, #tpu.memory_space<vmem>>, %arg9: memref<3x2560xf32, #tpu.memory_space<vmem>>, %arg10: memref<3x2560xf32, #tpu.memory_space<vmem>>, %arg11: memref<2576xi32, #tpu.memory_space<vmem>>, %arg12: memref<2576xi32, #tpu.memory_space<vmem>>, %arg13: memref<!tpu.dma_semaphore, #tpu.memory_space<semaphore_mem>>, %arg14: memref<!tpu.dma_semaphore, #tpu.memory_space<semaphore_mem>>) attributes {dimension_semantics = [#tpu.dimension_semantics<core_parallel>, #tpu.dimension_semantics<subcore_parallel>], iteration_bounds = array<i64: 2, 16>, scalar_prefetch = 0 : i64, scratch_operands = 9 : i64, tpu.core_type = #tpu.core_type<sc_vector_subcore>, window_params = [{transform_indices = #map}, {transform_indices = #map}, {transform_indices = #map1}, {transform_indices = #map}]} {
    %mul3A = arith.constant 2 : i32
    %mul3A_0 = arith.muli %arg1, %mul3A : i32
    %add3A = arith.addi %mul3A_0, %arg0 : i32
    %min3A = arith.constant 17 : i32
    %min3A_1 = arith.minsi %add3A, %min3A : i32
    %mul3A_2 = arith.constant 20 : i32
    %mul3A_3 = arith.muli %min3A_1, %mul3A_2 : i32
    %sub3A = arith.subi %add3A, %min3A_1 : i32
    %mul3A_4 = arith.constant 19 : i32
    %mul3A_5 = arith.muli %sub3A, %mul3A_4 : i32
    %add3A_6 = arith.addi %mul3A_3, %mul3A_5 : i32
    %lt3A = arith.constant 17 : i32
    %lt3A_7 = arith.cmpi slt, %add3A, %lt3A : i32
    %jit3A = arith.constant 20 : i32
    %jit3A_8 = arith.constant 19 : i32
    %select_n3A = arith.select %lt3A_7, %jit3A, %jit3A_8 : i32
    %iota3A = tpu.iota {dimensions = array<i32: 0>} : vector<16xi32>
    %eq3A = arith.constant 15 : i32
    %eq3A_9 = vector.broadcast %eq3A : i32 to vector<16xi32>
    %eq3A_10 = arith.cmpi eq, %iota3A, %eq3A_9 : vector<16xi32>
    %not3A = arith.constant dense<true> : vector<16xi1>
    %not3A_11 = arith.xori %eq3A_10, %not3A : vector<16xi1>
    %broadcast_in_dim3A = arith.constant 0.000000e+00 : f32
    %broadcast_in_dim3A_12 = vector.broadcast %broadcast_in_dim3A : f32 to vector<16xf32>
    %mul3A_13 = arith.constant 2560 : i32
    %mul3A_14 = arith.muli %add3A_6, %mul3A_13 : i32
    %dma_start3A = arith.constant 0 : i32
    %dma_start3A_15 = tpu.memref_slice %arg2[%dma_start3A, %mul3A_14] : memref<3x1600000xf32, #tpu.memory_space<hbm>> -> memref<3x2560xf32, #tpu.memory_space<hbm>>
    %dma_start3A_16 = arith.constant 0 : i32
    %dma_start3A_17 = tpu.memref_slice %arg2[%dma_start3A_16, %mul3A_14] : memref<3x1600000xf32, #tpu.memory_space<hbm>> -> memref<3x2560xf32, #tpu.memory_space<hbm>>
    tpu.enqueue_dma source(%dma_start3A_17 : memref<3x2560xf32, #tpu.memory_space<hbm>>) target(%arg7 : memref<3x2560xf32, #tpu.memory_space<vmem>>) target_semaphore(%arg13 : memref<!tpu.dma_semaphore, #tpu.memory_space<semaphore_mem>>)
    %dma_start3A_18 = arith.constant 0 : i32
    %dma_start3A_19 = tpu.memref_slice %arg3[%dma_start3A_18, %mul3A_14] : memref<3x1600000xf32, #tpu.memory_space<hbm>> -> memref<3x2560xf32, #tpu.memory_space<hbm>>
    %dma_start3A_20 = arith.constant 0 : i32
    %dma_start3A_21 = tpu.memref_slice %arg3[%dma_start3A_20, %mul3A_14] : memref<3x1600000xf32, #tpu.memory_space<hbm>> -> memref<3x2560xf32, #tpu.memory_space<hbm>>
    tpu.enqueue_dma source(%dma_start3A_21 : memref<3x2560xf32, #tpu.memory_space<hbm>>) target(%arg9 : memref<3x2560xf32, #tpu.memory_space<vmem>>) target_semaphore(%arg13 : memref<!tpu.dma_semaphore, #tpu.memory_space<semaphore_mem>>)
    %dma_start3A_22 = arith.constant 0 : i32
    %dma_start3A_23 = tpu.memref_slice %arg11[%dma_start3A_22] : memref<2576xi32, #tpu.memory_space<vmem>> -> memref<2560xi32, #tpu.memory_space<vmem>>
    %dma_start3A_24 = tpu.memref_slice %arg4[%mul3A_14] : memref<1600000xi32, #tpu.memory_space<hbm>> -> memref<2560xi32, #tpu.memory_space<hbm>>
    %dma_start3A_25 = arith.constant 0 : i32
    %dma_start3A_26 = tpu.memref_slice %arg11[%dma_start3A_25] : memref<2576xi32, #tpu.memory_space<vmem>> -> memref<2560xi32, #tpu.memory_space<vmem>>
    %dma_start3A_27 = tpu.memref_slice %arg4[%mul3A_14] : memref<1600000xi32, #tpu.memory_space<hbm>> -> memref<2560xi32, #tpu.memory_space<hbm>>
    tpu.enqueue_dma source(%dma_start3A_27 : memref<2560xi32, #tpu.memory_space<hbm>>) target(%dma_start3A_26 : memref<2560xi32, #tpu.memory_space<vmem>>) target_semaphore(%arg13 : memref<!tpu.dma_semaphore, #tpu.memory_space<semaphore_mem>>)
    %jit3A_28 = arith.constant 2 : i32
    %div3A = arith.divsi %select_n3A, %jit3A_28 : i32
    %sign3A = arith.constant 0 : i32
    %sign3A_29 = arith.cmpi sgt, %select_n3A, %sign3A : i32
    %sign3A_30 = arith.extui %sign3A_29 : i1 to i32
    %sign3A_31 = arith.constant 0 : i32
    %sign3A_32 = arith.cmpi slt, %select_n3A, %sign3A_31 : i32
    %sign3A_33 = arith.extui %sign3A_32 : i1 to i32
    %sign3A_34 = arith.subi %sign3A_30, %sign3A_33 : i32
    %sign3A_35 = arith.constant 0 : i32
    %sign3A_36 = arith.cmpi sgt, %jit3A_28, %sign3A_35 : i32
    %sign3A_37 = arith.extui %sign3A_36 : i1 to i32
    %sign3A_38 = arith.constant 0 : i32
    %sign3A_39 = arith.cmpi slt, %jit3A_28, %sign3A_38 : i32
    %sign3A_40 = arith.extui %sign3A_39 : i1 to i32
    %sign3A_41 = arith.subi %sign3A_37, %sign3A_40 : i32
    %ne3A = arith.cmpi ne, %sign3A_34, %sign3A_41 : i32
    %rem3A = arith.remsi %select_n3A, %jit3A_28 : i32
    %ne3A_42 = arith.constant 0 : i32
    %ne3A_43 = arith.cmpi ne, %rem3A, %ne3A_42 : i32
    %and3A = arith.andi %ne3A, %ne3A_43 : i1
    %sub3A_44 = arith.constant 1 : i32
    %sub3A_45 = arith.subi %div3A, %sub3A_44 : i32
    %select_n3A_46 = arith.select %and3A, %sub3A_45, %div3A : i32
    %while3A = arith.constant 0 : i32
    %while3A_47 = arith.subi %select_n3A_46, %while3A : i32
    %while3A_48 = arith.addi %while3A, %while3A_47 : i32
    %while3A_49 = arith.constant 1 : i32
    %while3A_50 = arith.divsi %while3A_47, %while3A_49 : i32
    %while3A_51 = arith.muli %while3A_50, %while3A_49 : i32
    %while3A_52 = arith.addi %while3A, %while3A_51 : i32
    %while3A_53 = arith.constant 1 : i32
    scf.for %while3A_74 = %while3A to %while3A_52 step %while3A_53  : i32 {
      %mul3A_75 = arith.constant 2 : i32
      %mul3A_76 = arith.muli %mul3A_75, %while3A_74 : i32
      %add3A_77 = arith.addi %add3A_6, %mul3A_76 : i32
      %add3A_78 = arith.constant 1 : i32
      %add3A_79 = arith.addi %add3A_77, %add3A_78 : i32
      %mul3A_80 = arith.constant 2560 : i32
      %mul3A_81 = arith.muli %add3A_79, %mul3A_80 : i32
      %dma_start3A_82 = arith.constant 0 : i32
      %dma_start3A_83 = tpu.memref_slice %arg2[%dma_start3A_82, %mul3A_81] : memref<3x1600000xf32, #tpu.memory_space<hbm>> -> memref<3x2560xf32, #tpu.memory_space<hbm>>
      %dma_start3A_84 = arith.constant 0 : i32
      %dma_start3A_85 = tpu.memref_slice %arg2[%dma_start3A_84, %mul3A_81] : memref<3x1600000xf32, #tpu.memory_space<hbm>> -> memref<3x2560xf32, #tpu.memory_space<hbm>>
      tpu.enqueue_dma source(%dma_start3A_85 : memref<3x2560xf32, #tpu.memory_space<hbm>>) target(%arg8 : memref<3x2560xf32, #tpu.memory_space<vmem>>) target_semaphore(%arg14 : memref<!tpu.dma_semaphore, #tpu.memory_space<semaphore_mem>>)
      %dma_start3A_86 = arith.constant 0 : i32
      %dma_start3A_87 = tpu.memref_slice %arg3[%dma_start3A_86, %mul3A_81] : memref<3x1600000xf32, #tpu.memory_space<hbm>> -> memref<3x2560xf32, #tpu.memory_space<hbm>>
      %dma_start3A_88 = arith.constant 0 : i32
      %dma_start3A_89 = tpu.memref_slice %arg3[%dma_start3A_88, %mul3A_81] : memref<3x1600000xf32, #tpu.memory_space<hbm>> -> memref<3x2560xf32, #tpu.memory_space<hbm>>
      tpu.enqueue_dma source(%dma_start3A_89 : memref<3x2560xf32, #tpu.memory_space<hbm>>) target(%arg10 : memref<3x2560xf32, #tpu.memory_space<vmem>>) target_semaphore(%arg14 : memref<!tpu.dma_semaphore, #tpu.memory_space<semaphore_mem>>)
      %dma_start3A_90 = arith.constant 0 : i32
      %dma_start3A_91 = tpu.memref_slice %arg12[%dma_start3A_90] : memref<2576xi32, #tpu.memory_space<vmem>> -> memref<2560xi32, #tpu.memory_space<vmem>>
      %dma_start3A_92 = tpu.memref_slice %arg4[%mul3A_81] : memref<1600000xi32, #tpu.memory_space<hbm>> -> memref<2560xi32, #tpu.memory_space<hbm>>
      %dma_start3A_93 = arith.constant 0 : i32
      %dma_start3A_94 = tpu.memref_slice %arg12[%dma_start3A_93] : memref<2576xi32, #tpu.memory_space<vmem>> -> memref<2560xi32, #tpu.memory_space<vmem>>
      %dma_start3A_95 = tpu.memref_slice %arg4[%mul3A_81] : memref<1600000xi32, #tpu.memory_space<hbm>> -> memref<2560xi32, #tpu.memory_space<hbm>>
      tpu.enqueue_dma source(%dma_start3A_95 : memref<2560xi32, #tpu.memory_space<hbm>>) target(%dma_start3A_94 : memref<2560xi32, #tpu.memory_space<vmem>>) target_semaphore(%arg14 : memref<!tpu.dma_semaphore, #tpu.memory_space<semaphore_mem>>)
      %dma_wait3A = arith.constant 0 : i32
      %dma_wait3A_96 = arith.constant 0 : i32
      %dma_wait3A_97 = tpu.memref_slice %arg2[%dma_wait3A, %dma_wait3A_96] : memref<3x1600000xf32, #tpu.memory_space<hbm>> -> memref<3x2560xf32, #tpu.memory_space<hbm>>
      %dma_wait3A_98 = arith.constant 0 : i32
      %dma_wait3A_99 = arith.constant 0 : i32
      %dma_wait3A_100 = tpu.memref_slice %arg2[%dma_wait3A_98, %dma_wait3A_99] : memref<3x1600000xf32, #tpu.memory_space<hbm>> -> memref<3x2560xf32, #tpu.memory_space<hbm>>
      tpu.wait_dma2 semaphore(%arg13 : memref<!tpu.dma_semaphore, #tpu.memory_space<semaphore_mem>>) src(%dma_wait3A_100 : memref<3x2560xf32, #tpu.memory_space<hbm>>) dst(%arg7 : memref<3x2560xf32, #tpu.memory_space<vmem>>)
      %dma_wait3A_101 = arith.constant 0 : i32
      %dma_wait3A_102 = arith.constant 0 : i32
      %dma_wait3A_103 = tpu.memref_slice %arg3[%dma_wait3A_101, %dma_wait3A_102] : memref<3x1600000xf32, #tpu.memory_space<hbm>> -> memref<3x2560xf32, #tpu.memory_space<hbm>>
      %dma_wait3A_104 = arith.constant 0 : i32
      %dma_wait3A_105 = arith.constant 0 : i32
      %dma_wait3A_106 = tpu.memref_slice %arg3[%dma_wait3A_104, %dma_wait3A_105] : memref<3x1600000xf32, #tpu.memory_space<hbm>> -> memref<3x2560xf32, #tpu.memory_space<hbm>>
      tpu.wait_dma2 semaphore(%arg13 : memref<!tpu.dma_semaphore, #tpu.memory_space<semaphore_mem>>) src(%dma_wait3A_106 : memref<3x2560xf32, #tpu.memory_space<hbm>>) dst(%arg9 : memref<3x2560xf32, #tpu.memory_space<vmem>>)
      %dma_wait3A_107 = arith.constant 0 : i32
      %dma_wait3A_108 = tpu.memref_slice %arg11[%dma_wait3A_107] : memref<2576xi32, #tpu.memory_space<vmem>> -> memref<2560xi32, #tpu.memory_space<vmem>>
      %dma_wait3A_109 = arith.constant 0 : i32
      %dma_wait3A_110 = tpu.memref_slice %arg4[%dma_wait3A_109] : memref<1600000xi32, #tpu.memory_space<hbm>> -> memref<2560xi32, #tpu.memory_space<hbm>>
      %dma_wait3A_111 = arith.constant 0 : i32
      %dma_wait3A_112 = tpu.memref_slice %arg11[%dma_wait3A_111] : memref<2576xi32, #tpu.memory_space<vmem>> -> memref<2560xi32, #tpu.memory_space<vmem>>
      %dma_wait3A_113 = arith.constant 0 : i32
      %dma_wait3A_114 = tpu.memref_slice %arg4[%dma_wait3A_113] : memref<1600000xi32, #tpu.memory_space<hbm>> -> memref<2560xi32, #tpu.memory_space<hbm>>
      tpu.wait_dma2 semaphore(%arg13 : memref<!tpu.dma_semaphore, #tpu.memory_space<semaphore_mem>>) src(%dma_wait3A_114 : memref<2560xi32, #tpu.memory_space<hbm>>) dst(%dma_wait3A_112 : memref<2560xi32, #tpu.memory_space<vmem>>)
      %mul3A_115 = arith.constant 2 : i32
      %mul3A_116 = arith.muli %mul3A_115, %while3A_74 : i32
      %add3A_117 = arith.constant 2 : i32
      %add3A_118 = arith.addi %mul3A_116, %add3A_117 : i32
      %lt3A_119 = arith.cmpi slt, %add3A_118, %select_n3A : i32
      %convert_element_type3A_120 = arith.extui %lt3A_119 : i1 to i32
      %cond3A_121 = arith.constant 0 : i32
      %cond3A_122 = arith.cmpi ne, %convert_element_type3A_120, %cond3A_121 : i32
      scf.if %cond3A_122 {
        %add3A_143 = arith.constant 2 : i32
        %add3A_144 = arith.addi %add3A_77, %add3A_143 : i32
        %mul3A_145 = arith.constant 2560 : i32
        %mul3A_146 = arith.muli %add3A_144, %mul3A_145 : i32
        %dma_start3A_147 = arith.constant 0 : i32
        %dma_start3A_148 = tpu.memref_slice %arg2[%dma_start3A_147, %mul3A_146] : memref<3x1600000xf32, #tpu.memory_space<hbm>> -> memref<3x2560xf32, #tpu.memory_space<hbm>>
        %dma_start3A_149 = arith.constant 0 : i32
        %dma_start3A_150 = tpu.memref_slice %arg2[%dma_start3A_149, %mul3A_146] : memref<3x1600000xf32, #tpu.memory_space<hbm>> -> memref<3x2560xf32, #tpu.memory_space<hbm>>
        tpu.enqueue_dma source(%dma_start3A_150 : memref<3x2560xf32, #tpu.memory_space<hbm>>) target(%arg7 : memref<3x2560xf32, #tpu.memory_space<vmem>>) target_semaphore(%arg13 : memref<!tpu.dma_semaphore, #tpu.memory_space<semaphore_mem>>)
        %dma_start3A_151 = arith.constant 0 : i32
        %dma_start3A_152 = tpu.memref_slice %arg3[%dma_start3A_151, %mul3A_146] : memref<3x1600000xf32, #tpu.memory_space<hbm>> -> memref<3x2560xf32, #tpu.memory_space<hbm>>
        %dma_start3A_153 = arith.constant 0 : i32
        %dma_start3A_154 = tpu.memref_slice %arg3[%dma_start3A_153, %mul3A_146] : memref<3x1600000xf32, #tpu.memory_space<hbm>> -> memref<3x2560xf32, #tpu.memory_space<hbm>>
        tpu.enqueue_dma source(%dma_start3A_154 : memref<3x2560xf32, #tpu.memory_space<hbm>>) target(%arg9 : memref<3x2560xf32, #tpu.memory_space<vmem>>) target_semaphore(%arg13 : memref<!tpu.dma_semaphore, #tpu.memory_space<semaphore_mem>>)
        %dma_start3A_155 = arith.constant 0 : i32
        %dma_start3A_156 = tpu.memref_slice %arg11[%dma_start3A_155] : memref<2576xi32, #tpu.memory_space<vmem>> -> memref<2560xi32, #tpu.memory_space<vmem>>
        %dma_start3A_157 = tpu.memref_slice %arg4[%mul3A_146] : memref<1600000xi32, #tpu.memory_space<hbm>> -> memref<2560xi32, #tpu.memory_space<hbm>>
        %dma_start3A_158 = arith.constant 0 : i32
        %dma_start3A_159 = tpu.memref_slice %arg11[%dma_start3A_158] : memref<2576xi32, #tpu.memory_space<vmem>> -> memref<2560xi32, #tpu.memory_space<vmem>>
        %dma_start3A_160 = tpu.memref_slice %arg4[%mul3A_146] : memref<1600000xi32, #tpu.memory_space<hbm>> -> memref<2560xi32, #tpu.memory_space<hbm>>
        tpu.enqueue_dma source(%dma_start3A_160 : memref<2560xi32, #tpu.memory_space<hbm>>) target(%dma_start3A_159 : memref<2560xi32, #tpu.memory_space<vmem>>) target_semaphore(%arg13 : memref<!tpu.dma_semaphore, #tpu.memory_space<semaphore_mem>>)
      } else {
      }
      %dma_wait3A_123 = arith.constant 0 : i32
      %dma_wait3A_124 = arith.constant 0 : i32
      %dma_wait3A_125 = tpu.memref_slice %arg2[%dma_wait3A_123, %dma_wait3A_124] : memref<3x1600000xf32, #tpu.memory_space<hbm>> -> memref<3x2560xf32, #tpu.memory_space<hbm>>
      %dma_wait3A_126 = arith.constant 0 : i32
      %dma_wait3A_127 = arith.constant 0 : i32
      %dma_wait3A_128 = tpu.memref_slice %arg2[%dma_wait3A_126, %dma_wait3A_127] : memref<3x1600000xf32, #tpu.memory_space<hbm>> -> memref<3x2560xf32, #tpu.memory_space<hbm>>
      tpu.wait_dma2 semaphore(%arg14 : memref<!tpu.dma_semaphore, #tpu.memory_space<semaphore_mem>>) src(%dma_wait3A_128 : memref<3x2560xf32, #tpu.memory_space<hbm>>) dst(%arg8 : memref<3x2560xf32, #tpu.memory_space<vmem>>)
      %dma_wait3A_129 = arith.constant 0 : i32
      %dma_wait3A_130 = arith.constant 0 : i32
      %dma_wait3A_131 = tpu.memref_slice %arg3[%dma_wait3A_129, %dma_wait3A_130] : memref<3x1600000xf32, #tpu.memory_space<hbm>> -> memref<3x2560xf32, #tpu.memory_space<hbm>>
      %dma_wait3A_132 = arith.constant 0 : i32
      %dma_wait3A_133 = arith.constant 0 : i32
      %dma_wait3A_134 = tpu.memref_slice %arg3[%dma_wait3A_132, %dma_wait3A_133] : memref<3x1600000xf32, #tpu.memory_space<hbm>> -> memref<3x2560xf32, #tpu.memory_space<hbm>>
      tpu.wait_dma2 semaphore(%arg14 : memref<!tpu.dma_semaphore, #tpu.memory_space<semaphore_mem>>) src(%dma_wait3A_134 : memref<3x2560xf32, #tpu.memory_space<hbm>>) dst(%arg10 : memref<3x2560xf32, #tpu.memory_space<vmem>>)
      %dma_wait3A_135 = arith.constant 0 : i32
      %dma_wait3A_136 = tpu.memref_slice %arg12[%dma_wait3A_135] : memref<2576xi32, #tpu.memory_space<vmem>> -> memref<2560xi32, #tpu.memory_space<vmem>>
      %dma_wait3A_137 = arith.constant 0 : i32
      %dma_wait3A_138 = tpu.memref_slice %arg4[%dma_wait3A_137] : memref<1600000xi32, #tpu.memory_space<hbm>> -> memref<2560xi32, #tpu.memory_space<hbm>>
      %dma_wait3A_139 = arith.constant 0 : i32
      %dma_wait3A_140 = tpu.memref_slice %arg12[%dma_wait3A_139] : memref<2576xi32, #tpu.memory_space<vmem>> -> memref<2560xi32, #tpu.memory_space<vmem>>
      %dma_wait3A_141 = arith.constant 0 : i32
      %dma_wait3A_142 = tpu.memref_slice %arg4[%dma_wait3A_141] : memref<1600000xi32, #tpu.memory_space<hbm>> -> memref<2560xi32, #tpu.memory_space<hbm>>
      tpu.wait_dma2 semaphore(%arg14 : memref<!tpu.dma_semaphore, #tpu.memory_space<semaphore_mem>>) src(%dma_wait3A_142 : memref<2560xi32, #tpu.memory_space<hbm>>) dst(%dma_wait3A_140 : memref<2560xi32, #tpu.memory_space<vmem>>)
    }
    %while3A_54 = arith.constant 1 : i32
    scf.for %while3A_74 = %while3A_52 to %while3A_48 step %while3A_54  : i32 {
      %mul3A_75 = arith.constant 2 : i32
      %mul3A_76 = arith.muli %mul3A_75, %while3A_74 : i32
      %add3A_77 = arith.addi %add3A_6, %mul3A_76 : i32
      %add3A_78 = arith.constant 1 : i32
      %add3A_79 = arith.addi %add3A_77, %add3A_78 : i32
      %mul3A_80 = arith.constant 2560 : i32
      %mul3A_81 = arith.muli %add3A_79, %mul3A_80 : i32
      %dma_start3A_82 = arith.constant 0 : i32
      %dma_start3A_83 = tpu.memref_slice %arg2[%dma_start3A_82, %mul3A_81] : memref<3x1600000xf32, #tpu.memory_space<hbm>> -> memref<3x2560xf32, #tpu.memory_space<hbm>>
      %dma_start3A_84 = arith.constant 0 : i32
      %dma_start3A_85 = tpu.memref_slice %arg2[%dma_start3A_84, %mul3A_81] : memref<3x1600000xf32, #tpu.memory_space<hbm>> -> memref<3x2560xf32, #tpu.memory_space<hbm>>
      tpu.enqueue_dma source(%dma_start3A_85 : memref<3x2560xf32, #tpu.memory_space<hbm>>) target(%arg8 : memref<3x2560xf32, #tpu.memory_space<vmem>>) target_semaphore(%arg14 : memref<!tpu.dma_semaphore, #tpu.memory_space<semaphore_mem>>)
      %dma_start3A_86 = arith.constant 0 : i32
      %dma_start3A_87 = tpu.memref_slice %arg3[%dma_start3A_86, %mul3A_81] : memref<3x1600000xf32, #tpu.memory_space<hbm>> -> memref<3x2560xf32, #tpu.memory_space<hbm>>
      %dma_start3A_88 = arith.constant 0 : i32
      %dma_start3A_89 = tpu.memref_slice %arg3[%dma_start3A_88, %mul3A_81] : memref<3x1600000xf32, #tpu.memory_space<hbm>> -> memref<3x2560xf32, #tpu.memory_space<hbm>>
      tpu.enqueue_dma source(%dma_start3A_89 : memref<3x2560xf32, #tpu.memory_space<hbm>>) target(%arg10 : memref<3x2560xf32, #tpu.memory_space<vmem>>) target_semaphore(%arg14 : memref<!tpu.dma_semaphore, #tpu.memory_space<semaphore_mem>>)
      %dma_start3A_90 = arith.constant 0 : i32
      %dma_start3A_91 = tpu.memref_slice %arg12[%dma_start3A_90] : memref<2576xi32, #tpu.memory_space<vmem>> -> memref<2560xi32, #tpu.memory_space<vmem>>
      %dma_start3A_92 = tpu.memref_slice %arg4[%mul3A_81] : memref<1600000xi32, #tpu.memory_space<hbm>> -> memref<2560xi32, #tpu.memory_space<hbm>>
      %dma_start3A_93 = arith.constant 0 : i32
      %dma_start3A_94 = tpu.memref_slice %arg12[%dma_start3A_93] : memref<2576xi32, #tpu.memory_space<vmem>> -> memref<2560xi32, #tpu.memory_space<vmem>>
      %dma_start3A_95 = tpu.memref_slice %arg4[%mul3A_81] : memref<1600000xi32, #tpu.memory_space<hbm>> -> memref<2560xi32, #tpu.memory_space<hbm>>
      tpu.enqueue_dma source(%dma_start3A_95 : memref<2560xi32, #tpu.memory_space<hbm>>) target(%dma_start3A_94 : memref<2560xi32, #tpu.memory_space<vmem>>) target_semaphore(%arg14 : memref<!tpu.dma_semaphore, #tpu.memory_space<semaphore_mem>>)
      %dma_wait3A = arith.constant 0 : i32
      %dma_wait3A_96 = arith.constant 0 : i32
      %dma_wait3A_97 = tpu.memref_slice %arg2[%dma_wait3A, %dma_wait3A_96] : memref<3x1600000xf32, #tpu.memory_space<hbm>> -> memref<3x2560xf32, #tpu.memory_space<hbm>>
      %dma_wait3A_98 = arith.constant 0 : i32
      %dma_wait3A_99 = arith.constant 0 : i32
      %dma_wait3A_100 = tpu.memref_slice %arg2[%dma_wait3A_98, %dma_wait3A_99] : memref<3x1600000xf32, #tpu.memory_space<hbm>> -> memref<3x2560xf32, #tpu.memory_space<hbm>>
      tpu.wait_dma2 semaphore(%arg13 : memref<!tpu.dma_semaphore, #tpu.memory_space<semaphore_mem>>) src(%dma_wait3A_100 : memref<3x2560xf32, #tpu.memory_space<hbm>>) dst(%arg7 : memref<3x2560xf32, #tpu.memory_space<vmem>>)
      %dma_wait3A_101 = arith.constant 0 : i32
      %dma_wait3A_102 = arith.constant 0 : i32
      %dma_wait3A_103 = tpu.memref_slice %arg3[%dma_wait3A_101, %dma_wait3A_102] : memref<3x1600000xf32, #tpu.memory_space<hbm>> -> memref<3x2560xf32, #tpu.memory_space<hbm>>
      %dma_wait3A_104 = arith.constant 0 : i32
      %dma_wait3A_105 = arith.constant 0 : i32
      %dma_wait3A_106 = tpu.memref_slice %arg3[%dma_wait3A_104, %dma_wait3A_105] : memref<3x1600000xf32, #tpu.memory_space<hbm>> -> memref<3x2560xf32, #tpu.memory_space<hbm>>
      tpu.wait_dma2 semaphore(%arg13 : memref<!tpu.dma_semaphore, #tpu.memory_space<semaphore_mem>>) src(%dma_wait3A_106 : memref<3x2560xf32, #tpu.memory_space<hbm>>) dst(%arg9 : memref<3x2560xf32, #tpu.memory_space<vmem>>)
      %dma_wait3A_107 = arith.constant 0 : i32
      %dma_wait3A_108 = tpu.memref_slice %arg11[%dma_wait3A_107] : memref<2576xi32, #tpu.memory_space<vmem>> -> memref<2560xi32, #tpu.memory_space<vmem>>
      %dma_wait3A_109 = arith.constant 0 : i32
      %dma_wait3A_110 = tpu.memref_slice %arg4[%dma_wait3A_109] : memref<1600000xi32, #tpu.memory_space<hbm>> -> memref<2560xi32, #tpu.memory_space<hbm>>
      %dma_wait3A_111 = arith.constant 0 : i32
      %dma_wait3A_112 = tpu.memref_slice %arg11[%dma_wait3A_111] : memref<2576xi32, #tpu.memory_space<vmem>> -> memref<2560xi32, #tpu.memory_space<vmem>>
      %dma_wait3A_113 = arith.constant 0 : i32
      %dma_wait3A_114 = tpu.memref_slice %arg4[%dma_wait3A_113] : memref<1600000xi32, #tpu.memory_space<hbm>> -> memref<2560xi32, #tpu.memory_space<hbm>>
      tpu.wait_dma2 semaphore(%arg13 : memref<!tpu.dma_semaphore, #tpu.memory_space<semaphore_mem>>) src(%dma_wait3A_114 : memref<2560xi32, #tpu.memory_space<hbm>>) dst(%dma_wait3A_112 : memref<2560xi32, #tpu.memory_space<vmem>>)
      %mul3A_115 = arith.constant 2 : i32
      %mul3A_116 = arith.muli %mul3A_115, %while3A_74 : i32
      %add3A_117 = arith.constant 2 : i32
      %add3A_118 = arith.addi %mul3A_116, %add3A_117 : i32
      %lt3A_119 = arith.cmpi slt, %add3A_118, %select_n3A : i32
      %convert_element_type3A_120 = arith.extui %lt3A_119 : i1 to i32
      %cond3A_121 = arith.constant 0 : i32
      %cond3A_122 = arith.cmpi ne, %convert_element_type3A_120, %cond3A_121 : i32
      scf.if %cond3A_122 {
        %add3A_143 = arith.constant 2 : i32
        %add3A_144 = arith.addi %add3A_77, %add3A_143 : i32
        %mul3A_145 = arith.constant 2560 : i32
        %mul3A_146 = arith.muli %add3A_144, %mul3A_145 : i32
        %dma_start3A_147 = arith.constant 0 : i32
        %dma_start3A_148 = tpu.memref_slice %arg2[%dma_start3A_147, %mul3A_146] : memref<3x1600000xf32, #tpu.memory_space<hbm>> -> memref<3x2560xf32, #tpu.memory_space<hbm>>
        %dma_start3A_149 = arith.constant 0 : i32
        %dma_start3A_150 = tpu.memref_slice %arg2[%dma_start3A_149, %mul3A_146] : memref<3x1600000xf32, #tpu.memory_space<hbm>> -> memref<3x2560xf32, #tpu.memory_space<hbm>>
        tpu.enqueue_dma source(%dma_start3A_150 : memref<3x2560xf32, #tpu.memory_space<hbm>>) target(%arg7 : memref<3x2560xf32, #tpu.memory_space<vmem>>) target_semaphore(%arg13 : memref<!tpu.dma_semaphore, #tpu.memory_space<semaphore_mem>>)
        %dma_start3A_151 = arith.constant 0 : i32
        %dma_start3A_152 = tpu.memref_slice %arg3[%dma_start3A_151, %mul3A_146] : memref<3x1600000xf32, #tpu.memory_space<hbm>> -> memref<3x2560xf32, #tpu.memory_space<hbm>>
        %dma_start3A_153 = arith.constant 0 : i32
        %dma_start3A_154 = tpu.memref_slice %arg3[%dma_start3A_153, %mul3A_146] : memref<3x1600000xf32, #tpu.memory_space<hbm>> -> memref<3x2560xf32, #tpu.memory_space<hbm>>
        tpu.enqueue_dma source(%dma_start3A_154 : memref<3x2560xf32, #tpu.memory_space<hbm>>) target(%arg9 : memref<3x2560xf32, #tpu.memory_space<vmem>>) target_semaphore(%arg13 : memref<!tpu.dma_semaphore, #tpu.memory_space<semaphore_mem>>)
        %dma_start3A_155 = arith.constant 0 : i32
        %dma_start3A_156 = tpu.memref_slice %arg11[%dma_start3A_155] : memref<2576xi32, #tpu.memory_space<vmem>> -> memref<2560xi32, #tpu.memory_space<vmem>>
        %dma_start3A_157 = tpu.memref_slice %arg4[%mul3A_146] : memref<1600000xi32, #tpu.memory_space<hbm>> -> memref<2560xi32, #tpu.memory_space<hbm>>
        %dma_start3A_158 = arith.constant 0 : i32
        %dma_start3A_159 = tpu.memref_slice %arg11[%dma_start3A_158] : memref<2576xi32, #tpu.memory_space<vmem>> -> memref<2560xi32, #tpu.memory_space<vmem>>
        %dma_start3A_160 = tpu.memref_slice %arg4[%mul3A_146] : memref<1600000xi32, #tpu.memory_space<hbm>> -> memref<2560xi32, #tpu.memory_space<hbm>>
        tpu.enqueue_dma source(%dma_start3A_160 : memref<2560xi32, #tpu.memory_space<hbm>>) target(%dma_start3A_159 : memref<2560xi32, #tpu.memory_space<vmem>>) target_semaphore(%arg13 : memref<!tpu.dma_semaphore, #tpu.memory_space<semaphore_mem>>)
      } else {
      }
      %dma_wait3A_123 = arith.constant 0 : i32
      %dma_wait3A_124 = arith.constant 0 : i32
      %dma_wait3A_125 = tpu.memref_slice %arg2[%dma_wait3A_123, %dma_wait3A_124] : memref<3x1600000xf32, #tpu.memory_space<hbm>> -> memref<3x2560xf32, #tpu.memory_space<hbm>>
      %dma_wait3A_126 = arith.constant 0 : i32
      %dma_wait3A_127 = arith.constant 0 : i32
      %dma_wait3A_128 = tpu.memref_slice %arg2[%dma_wait3A_126, %dma_wait3A_127] : memref<3x1600000xf32, #tpu.memory_space<hbm>> -> memref<3x2560xf32, #tpu.memory_space<hbm>>
      tpu.wait_dma2 semaphore(%arg14 : memref<!tpu.dma_semaphore, #tpu.memory_space<semaphore_mem>>) src(%dma_wait3A_128 : memref<3x2560xf32, #tpu.memory_space<hbm>>) dst(%arg8 : memref<3x2560xf32, #tpu.memory_space<vmem>>)
      %dma_wait3A_129 = arith.constant 0 : i32
      %dma_wait3A_130 = arith.constant 0 : i32
      %dma_wait3A_131 = tpu.memref_slice %arg3[%dma_wait3A_129, %dma_wait3A_130] : memref<3x1600000xf32, #tpu.memory_space<hbm>> -> memref<3x2560xf32, #tpu.memory_space<hbm>>
      %dma_wait3A_132 = arith.constant 0 : i32
      %dma_wait3A_133 = arith.constant 0 : i32
      %dma_wait3A_134 = tpu.memref_slice %arg3[%dma_wait3A_132, %dma_wait3A_133] : memref<3x1600000xf32, #tpu.memory_space<hbm>> -> memref<3x2560xf32, #tpu.memory_space<hbm>>
      tpu.wait_dma2 semaphore(%arg14 : memref<!tpu.dma_semaphore, #tpu.memory_space<semaphore_mem>>) src(%dma_wait3A_134 : memref<3x2560xf32, #tpu.memory_space<hbm>>) dst(%arg10 : memref<3x2560xf32, #tpu.memory_space<vmem>>)
      %dma_wait3A_135 = arith.constant 0 : i32
      %dma_wait3A_136 = tpu.memref_slice %arg12[%dma_wait3A_135] : memref<2576xi32, #tpu.memory_space<vmem>> -> memref<2560xi32, #tpu.memory_space<vmem>>
      %dma_wait3A_137 = arith.constant 0 : i32
      %dma_wait3A_138 = tpu.memref_slice %arg4[%dma_wait3A_137] : memref<1600000xi32, #tpu.memory_space<hbm>> -> memref<2560xi32, #tpu.memory_space<hbm>>
      %dma_wait3A_139 = arith.constant 0 : i32
      %dma_wait3A_140 = tpu.memref_slice %arg12[%dma_wait3A_139] : memref<2576xi32, #tpu.memory_space<vmem>> -> memref<2560xi32, #tpu.memory_space<vmem>>
      %dma_wait3A_141 = arith.constant 0 : i32
      %dma_wait3A_142 = tpu.memref_slice %arg4[%dma_wait3A_141] : memref<1600000xi32, #tpu.memory_space<hbm>> -> memref<2560xi32, #tpu.memory_space<hbm>>
      tpu.wait_dma2 semaphore(%arg14 : memref<!tpu.dma_semaphore, #tpu.memory_space<semaphore_mem>>) src(%dma_wait3A_142 : memref<2560xi32, #tpu.memory_space<hbm>>) dst(%dma_wait3A_140 : memref<2560xi32, #tpu.memory_space<vmem>>)
    }
    %jit3A_55 = arith.constant 2 : i32
    %eq3A_56 = arith.constant 0 : i32
    %eq3A_57 = arith.cmpi eq, %jit3A_55, %eq3A_56 : i32
    %jit3A_58 = arith.constant 1 : i32
    %select_n3A_59 = arith.select %eq3A_57, %jit3A_58, %jit3A_55 : i32
    %rem3A_60 = arith.remsi %select_n3A, %select_n3A_59 : i32
    %ne3A_61 = arith.constant 0 : i32
    %ne3A_62 = arith.cmpi ne, %rem3A_60, %ne3A_61 : i32
    %lt3A_63 = arith.constant 0 : i32
    %lt3A_64 = arith.cmpi slt, %rem3A_60, %lt3A_63 : i32
    %lt3A_65 = arith.constant 0 : i32
    %lt3A_66 = arith.cmpi slt, %select_n3A_59, %lt3A_65 : i32
    %ne3A_67 = arith.xori %lt3A_64, %lt3A_66 : i1
    %and3A_68 = arith.andi %ne3A_67, %ne3A_62 : i1
    %add3A_69 = arith.addi %rem3A_60, %select_n3A_59 : i32
    %select_n3A_70 = arith.select %and3A_68, %add3A_69, %rem3A_60 : i32
    %eq3A_71 = arith.constant 1 : i32
    %eq3A_72 = arith.cmpi eq, %select_n3A_70, %eq3A_71 : i32
    %convert_element_type3A = arith.extui %eq3A_72 : i1 to i32
    %cond3A = arith.constant 0 : i32
    %cond3A_73 = arith.cmpi ne, %convert_element_type3A, %cond3A : i32
    scf.if %cond3A_73 {
      %dma_wait3A = arith.constant 0 : i32
      %dma_wait3A_74 = arith.constant 0 : i32
      %dma_wait3A_75 = tpu.memref_slice %arg2[%dma_wait3A, %dma_wait3A_74] : memref<3x1600000xf32, #tpu.memory_space<hbm>> -> memref<3x2560xf32, #tpu.memory_space<hbm>>
      %dma_wait3A_76 = arith.constant 0 : i32
      %dma_wait3A_77 = arith.constant 0 : i32
      %dma_wait3A_78 = tpu.memref_slice %arg2[%dma_wait3A_76, %dma_wait3A_77] : memref<3x1600000xf32, #tpu.memory_space<hbm>> -> memref<3x2560xf32, #tpu.memory_space<hbm>>
      tpu.wait_dma2 semaphore(%arg13 : memref<!tpu.dma_semaphore, #tpu.memory_space<semaphore_mem>>) src(%dma_wait3A_78 : memref<3x2560xf32, #tpu.memory_space<hbm>>) dst(%arg7 : memref<3x2560xf32, #tpu.memory_space<vmem>>)
      %dma_wait3A_79 = arith.constant 0 : i32
      %dma_wait3A_80 = arith.constant 0 : i32
      %dma_wait3A_81 = tpu.memref_slice %arg3[%dma_wait3A_79, %dma_wait3A_80] : memref<3x1600000xf32, #tpu.memory_space<hbm>> -> memref<3x2560xf32, #tpu.memory_space<hbm>>
      %dma_wait3A_82 = arith.constant 0 : i32
      %dma_wait3A_83 = arith.constant 0 : i32
      %dma_wait3A_84 = tpu.memref_slice %arg3[%dma_wait3A_82, %dma_wait3A_83] : memref<3x1600000xf32, #tpu.memory_space<hbm>> -> memref<3x2560xf32, #tpu.memory_space<hbm>>
      tpu.wait_dma2 semaphore(%arg13 : memref<!tpu.dma_semaphore, #tpu.memory_space<semaphore_mem>>) src(%dma_wait3A_84 : memref<3x2560xf32, #tpu.memory_space<hbm>>) dst(%arg9 : memref<3x2560xf32, #tpu.memory_space<vmem>>)
      %dma_wait3A_85 = arith.constant 0 : i32
      %dma_wait3A_86 = tpu.memref_slice %arg11[%dma_wait3A_85] : memref<2576xi32, #tpu.memory_space<vmem>> -> memref<2560xi32, #tpu.memory_space<vmem>>
      %dma_wait3A_87 = arith.constant 0 : i32
      %dma_wait3A_88 = tpu.memref_slice %arg4[%dma_wait3A_87] : memref<1600000xi32, #tpu.memory_space<hbm>> -> memref<2560xi32, #tpu.memory_space<hbm>>
      %dma_wait3A_89 = arith.constant 0 : i32
      %dma_wait3A_90 = tpu.memref_slice %arg11[%dma_wait3A_89] : memref<2576xi32, #tpu.memory_space<vmem>> -> memref<2560xi32, #tpu.memory_space<vmem>>
      %dma_wait3A_91 = arith.constant 0 : i32
      %dma_wait3A_92 = tpu.memref_slice %arg4[%dma_wait3A_91] : memref<1600000xi32, #tpu.memory_space<hbm>> -> memref<2560xi32, #tpu.memory_space<hbm>>
      tpu.wait_dma2 semaphore(%arg13 : memref<!tpu.dma_semaphore, #tpu.memory_space<semaphore_mem>>) src(%dma_wait3A_92 : memref<2560xi32, #tpu.memory_space<hbm>>) dst(%dma_wait3A_90 : memref<2560xi32, #tpu.memory_space<vmem>>)
    } else {
    }
    "tpu.region"() ({
      %run_scoped3A = tpu.sem_alloc : memref<!tpu.dma_semaphore, #tpu.memory_space<semaphore_mem>>
      %dma_start3A_74 = arith.constant 0 : i32
      %dma_start3A_75 = tpu.memref_slice %arg5[%add3A, %dma_start3A_74] : memref<32x50176xf32, #tpu.memory_space<hbm>> -> memref<1x50176xf32, #tpu.memory_space<hbm>>
      %dma_start3A_76 = tpu.memref_squeeze %dma_start3A_75 : memref<1x50176xf32, #tpu.memory_space<hbm>> -> memref<50176xf32, #tpu.memory_space<hbm>>
      %dma_start3A_77 = arith.constant 0 : i32
      %dma_start3A_78 = tpu.memref_slice %arg5[%add3A, %dma_start3A_77] : memref<32x50176xf32, #tpu.memory_space<hbm>> -> memref<1x50176xf32, #tpu.memory_space<hbm>>
      %dma_start3A_79 = tpu.memref_squeeze %dma_start3A_78 : memref<1x50176xf32, #tpu.memory_space<hbm>> -> memref<50176xf32, #tpu.memory_space<hbm>>
      tpu.enqueue_dma source(%arg6 : memref<50176xf32, #tpu.memory_space<vmem>>) target(%dma_start3A_79 : memref<50176xf32, #tpu.memory_space<hbm>>) target_semaphore(%run_scoped3A : memref<!tpu.dma_semaphore, #tpu.memory_space<semaphore_mem>>)
      %dma_wait3A = arith.constant 0 : i32
      %dma_wait3A_80 = tpu.memref_slice %arg5[%add3A, %dma_wait3A] : memref<32x50176xf32, #tpu.memory_space<hbm>> -> memref<1x50176xf32, #tpu.memory_space<hbm>>
      %dma_wait3A_81 = tpu.memref_squeeze %dma_wait3A_80 : memref<1x50176xf32, #tpu.memory_space<hbm>> -> memref<50176xf32, #tpu.memory_space<hbm>>
      %dma_wait3A_82 = arith.constant 0 : i32
      %dma_wait3A_83 = tpu.memref_slice %arg5[%add3A, %dma_wait3A_82] : memref<32x50176xf32, #tpu.memory_space<hbm>> -> memref<1x50176xf32, #tpu.memory_space<hbm>>
      %dma_wait3A_84 = tpu.memref_squeeze %dma_wait3A_83 : memref<1x50176xf32, #tpu.memory_space<hbm>> -> memref<50176xf32, #tpu.memory_space<hbm>>
      tpu.wait_dma2 semaphore(%run_scoped3A : memref<!tpu.dma_semaphore, #tpu.memory_space<semaphore_mem>>) src(%arg6 : memref<50176xf32, #tpu.memory_space<vmem>>) dst(%dma_wait3A_84 : memref<50176xf32, #tpu.memory_space<hbm>>)
      tpu.yield
    }) : () -> ()
    return
  }
}

</mosaic_0001>

<sc_bundles>
// kernel: kernel.3.cloned.1.call-start
scs
__scs_entry_jumppad:
0x0: {  	(pc) =	sbr.rel $0x88, $3  }
0x1: {  	(tag) =	ssettag $0x0;
	lr =	simm.s32 $0x1  }
0x2: {  	[smem:$0x3F9E] =	sst lr;
	_ =	strace $0xD0000000  }
0x3: {  	_ = 	snop  }
0x4: {  	_ = 	snop  }
0x5: {  	_ = 	snop  }
0x6: {  	_ = 	snop  }
0x7: {  	_ = 	snop  }
__scs_overlays_trampoline_lowered:
0x8: {  	[smem:$0x3FAD] =	sst s0  }
0x9: {  	[smem:$0x3FAE] =	sst s1  }
0xa: {  	[smem:$0x3FAF] =	sst s2  }
0xb: {  	[smem:$0x3FB0] =	sst s3  }
0xc: {  	[smem:$0x3FB1] =	sst s4  }
0xd: {  	[smem:$0x3FB2] =	sst s5  }
0xe: {  	[smem:$0x3FB3] =	sst s6  }
0xf: {  	[smem:$0x3FB4] =	sst s7  }
0x10: {  	[smem:$0x3FB5] =	sst s8  }
0x11: {  	[smem:$0x3FB6] =	sst s9;
	s0 =	simm.s32 @!p0 $0x0  }
0x12: {  	s1 =	sld [smem:$0x3F9C];
	s0 =	simm.s32 @p0 $0x1  }
0x13: {  	[smem:$0x3FB7] =	sst s0;
	s0 =	simm.s32 @!p1 $0x0  }
0x14: {  	s2 =	sld [smem:$0x3F9B];
	s0 =	simm.s32 @p1 $0x1  }
0x15: {  	[smem:$0x3FB8] =	sst s0;
	s0 =	simm.s32 @!p2 $0x0  }
0x16: {  	s3 =	sld [smem:$0x3FDB];
	s0 =	simm.s32 @p2 $0x1  }
0x17: {  	s4 =	simm.s32 $0x1BF5;
	[smem:$0x3FBA] =	sst s0  }
0x18: {  	s0 =	sld [smem:$0x3F9D];
	_ =	swait.ge [sflag:s4], $0x0  }
0x19: {  	s7 =	sld [smem:$0x3F9E]  }
0x1a: {  	s8 =	sadd.s32 $0xFFFFE003, lr  }
0x1b: {  	s9 =	sadd.s32 $0xFFFFFEF7, lr;
	s5 =	simm.s32 $0xFFFFFFFF;
	p2 =	slt.u32 s8, $0xFFFFF086  }
0x1c: {  	p1 =	slt.u32 s9, $0xF7A;
	s5 =	simm.s32 @!p2 $0x0  }
0x1d: {  	s5 =	simm.s32 @p1 $0x1;
	p0 =	seq.s32 s7, s2  }
0x1e: {  	s7 =	smul.u32 @!p0 $0xF7A, s2;
	p2 =	seq.s32 @!p0 s5, $0x0  }
0x1f: {  	s9 =	smul.u32 $0xF7A, s1;
	s8 =	simm.s32 @!p0 $0x1BF5;
	p2 =	por !p2, p0  }
0x20: {  	[sflag:s8] =	ssyncset.s32 @!p0 $0xFFFFF086;
	s6 =	sadd.s32 @!p0 s3, s7;
	s7 =	simm.s32 @!p0 $0x108  }
0x21: {  	s3 =	sadd.s32 s3, s9;
	s6 =	sadd.s32 @!p0 $0x88, s6;
	s7 =	simm.s32 @p2 $0x1082  }
0x22: {  	[simem:s7], [sflag:s8] =	dma.local @!p0 [hbm:s6], $0xF7A  }
0x23: {  	s9 =	sor.u32 $0xD0000000, s2;
	s6 =	simm.s32 $0x108;
	_ =	swait.ge @!p0 [sflag:s8], $0x0  }
0x24: {  	s3 =	sadd.s32 $0x88, s3;
	s6 =	simm.s32 @!p1 $0x1082;
	[sflag:s4] =	ssyncset.s32 $0xFFFFF086  }
0x25: {  	[simem:s6], [sflag:s4] =	dma.local [hbm:s3], $0xF7A  }
0x26: {  	[smem:$0x3F9E] =	sst s1;
	(tag) =	ssettag s2;
	_ =	strace s9  }
0x27: {  	s1 =	sld [smem:$0x3FAE]  }
0x28: {  	s2 =	sld [smem:$0x3FAF]  }
0x29: {  	s4 =	sld [smem:$0x3FB1]  }
0x2a: {  	p0 =	seq.s32 s5, $0x0;
	s5 =	sld [smem:$0x3FB2]  }
0x2b: {  	s6 =	sld [smem:$0x3FB3]  }
0x2c: {  	s7 =	sld [smem:$0x3FB4]  }
0x2d: {  	s3 =	simm.s32 $0x108;
	s8 =	sld [smem:$0x3FB5]  }
0x2e: {  	s3 =	simm.s32 @!p0 $0x1082;
	s9 =	sld [smem:$0x3FB6]  }
0x2f: {  	lr =	sadd.s32 s0, s3;
	s0 =	sld [smem:$0x3FAD]  }
0x30: {  	s3 =	sld [smem:$0x3FB0]  }
0x31: {  	[smem:$0x3FB9] =	sst s10  }
0x32: {  	s10 =	sld [smem:$0x3FB7];
	_ =	sdelay $0x3  }
0x33: {  	p0 =	seq.s32 s10, $0x1;
	s10 =	sld [smem:$0x3FB9];
	_ =	sdelay $0x3  }
0x34: {  	[smem:$0x3FB9] =	sst s10  }
0x35: {  	s10 =	sld [smem:$0x3FB8];
	_ =	sdelay $0x3  }
0x36: {  	p1 =	seq.s32 s10, $0x1;
	s10 =	sld [smem:$0x3FB9];
	_ =	sdelay $0x3  }
0x37: {  	[smem:$0x3FB9] =	sst s10  }
0x38: {  	s10 =	sld [smem:$0x3FBA]  }
0x39: {  	_ = 	snop;
	(pc) =	sbr.ind lr, $3  }
0x3a: {  	_ = 	snop  }
0x3b: {  	_ = 	snop  }
0x3c: {  	p2 =	seq.s32 s10, $0x1;
	s10 =	sld [smem:$0x3FB9]  }
0x3d: {  	_ =	shalt  }
0x3e: {  	_ =	shalt  }
0x3f: {  	_ =	shalt  }
0x40: {  	_ =	shalt  }
0x41: {  	_ =	shalt  }
0x42: {  	_ =	shalt  }
0x43: {  	_ =	shalt  }
0x44: {  	_ =	shalt  }
0x45: {  	_ =	shalt  }
0x46: {  	_ =	shalt  }
0x47: {  	_ =	shalt  }
0x48: {  	_ =	shalt  }
0x49: {  	_ =	shalt  }
0x4a: {  	_ =	shalt  }
0x4b: {  	_ =	shalt  }
0x4c: {  	_ =	shalt  }
0x4d: {  	_ =	shalt  }
0x4e: {  	_ =	shalt  }
0x4f: {  	_ =	shalt  }
0x50: {  	_ =	shalt  }
0x51: {  	_ =	shalt  }
0x52: {  	_ =	shalt  }
0x53: {  	_ =	shalt  }
0x54: {  	_ =	shalt  }
0x55: {  	_ =	shalt  }
0x56: {  	_ =	shalt  }
0x57: {  	_ =	shalt  }
0x58: {  	_ =	shalt  }
0x59: {  	_ =	shalt  }
0x5a: {  	_ =	shalt  }
0x5b: {  	_ =	shalt  }
0x5c: {  	_ =	shalt  }
0x5d: {  	_ =	shalt  }
0x5e: {  	_ =	shalt  }
0x5f: {  	_ =	shalt  }
0x60: {  	_ =	shalt  }
0x61: {  	_ =	shalt  }
0x62: {  	_ =	shalt  }
0x63: {  	_ =	shalt  }
0x64: {  	_ =	shalt  }
0x65: {  	_ =	shalt  }
0x66: {  	_ =	shalt  }
0x67: {  	_ =	shalt  }
0x68: {  	_ =	shalt  }
0x69: {  	_ =	shalt  }
0x6a: {  	_ =	shalt  }
0x6b: {  	_ =	shalt  }
0x6c: {  	_ =	shalt  }
0x6d: {  	_ =	shalt  }
0x6e: {  	_ =	shalt  }
0x6f: {  	_ =	shalt  }
0x70: {  	_ =	shalt  }
0x71: {  	_ =	shalt  }
0x72: {  	_ =	shalt  }
0x73: {  	_ =	shalt  }
0x74: {  	_ =	shalt  }
0x75: {  	_ =	shalt  }
0x76: {  	_ =	shalt  }
0x77: {  	_ =	shalt  }
0x78: {  	_ =	shalt  }
0x79: {  	_ =	shalt  }
0x7a: {  	_ =	shalt  }
0x7b: {  	_ =	shalt  }
0x7c: {  	_ =	shalt  }
0x7d: {  	_ =	shalt  }
0x7e: {  	_ =	shalt  }
0x7f: {  	_ =	shalt  }
0x80: {  	_ =	shalt  }
0x81: {  	_ =	shalt  }
0x82: {  	_ =	shalt  }
0x83: {  	_ =	shalt  }
0x84: {  	_ =	shalt  }
0x85: {  	_ =	shalt  }
0x86: {  	_ =	shalt  }
0x87: {  	_ =	shalt  }
.Lfunc_end0:
.L_simem_size_0:
called_computation_lowered:
.L_overlay_start_0:
0x88: {  	s2 =	sld [smem:$0x3FD9]  }
0x89: {  	s3 =	sld [smem:$0x3FFE];
	_ =	sdelay $0x1  }
0x8a: {  	s1 =	srdreg.scid  }
0x8b: {  	s0 =	sand.u32 $0x1, s1  }
0x8c: {  	s17 =	sshll.u32 s0, $0xA;
	s2 =	sadd.s32 s3, s2  }
0x8d: {  	s2 =	sadd.s32 s2, s17  }
0x8e: {  	[smem:$0x3FC5] =	sst s2  }
0x8f: {  	_ = 	snop  }
0x90: {  	s2 =	sld [smem:$0x3FC9]  }
0x91: {  	s18 =	sld [smem:$0x3FC8]  }
0x92: {  	s4 =	sld [smem:$0x3FC7];
	(tm) =	ssettm $0x1  }
0x93: {  	s5 =	sld [smem:$0x3FFB];
	_ =	sdelay $0x3  }
0x94: {  	_ =	strace s5  }
0x95: {  	s5 =	sld [smem:$0x3FFC];
	_ =	sdelay $0x3  }
0x96: {  	_ =	strace s5  }
0x97: {  	s5 =	sld [smem:$0x3FFD];
	_ =	sdelay $0x3  }
0x98: {  	_ =	strace s5  }
0x99: {  	_ =	strace $0x8FFFFFFF  }
0x9a: {  	s19 =	sld [smem:$0x3FDB];
	_ =	sdelay $0x1  }
0x9b: {  	s6 =	simm.s32 $_scs_section_size  }
0x9c: {  	s7 =	simm.s32 $_size__tile_overlayer_lowered;
	s8 =	simm.s32 $_tile_overlayer_lowered  }
0x9d: {  	s22 =	simm.s32 $0x1BFF;
	s21 =	sshll.u32 s8, $0x1;
	s5 =	sadd.s32 s6, s19  }
0x9e: {  	s9 =	simm.s32 $0x0;
	s20 =	sshll.u32 s7, $0x1;
	s7 =	sadd.s32 s21, s5  }
0x9f: {  	[timem:s9], [sflag:s22] =	dma.local [hbm:s7], s20  }
0xa0: {  	_ =	swait.ge [sflag:s22], s20  }
0xa1: {  	s6 =	ssub.s32 $0x0, s20;
	[sflag:s22] =	ssyncset.done $0x0  }
0xa2: {  	[sflag:s22] =	ssyncadd.s32 s6;
	_ =	sdelay $0x1  }
0xa3: {  	s23 =	simm.s32 $0x1B8B  }
0xa4: {  	_ =	swait.ge [sflag:s23], $0x1  }
0xa5: {  	[sflag:s23] =	ssyncset.done $0x0  }
0xa6: {  	s25 =	simm.s32 $0x1B8E;
	s24 =	sld [smem:$0x3FFE];
	[sflag:s23] =	ssyncadd.s32 $0xFFFFFFFF  }
0xa7: {  	s26 =	simm.s32 $execute0_lowered;
	[smem:$0x3FD2] =	sst s25  }
0xa8: {  	s7 =	sshll.u32 s26, $0x1;
	_ =	strace $0x80000046;
	[dreg:$0x1] =	wrdreg $0xFFFFFFFF  }
0xa9: {  	s28 =	simm.s32 $_size_execute0_lowered;
	s5 =	sadd.s32 s5, s7;
	[dreg:$0x0] =	wrdreg $0x0  }
0xaa: {  	s7 =	sshll.u32 s28, $0x1;
	[dreg:$0x2] =	wrdreg s5  }
0xab: {  	[dreg:$0x3] =	wrdreg s7  }
0xac: {  	[dreg:$0x4] =	wrdreg $0xC0  }
0xad: {  	_ =	task [dreg:s9], $0x5FFFF  }
0xae: {  	[dreg:$0x1] =	wrdreg $0xFFFFFFFF  }
0xaf: {  	[dreg:$0x0] =	wrdreg $0x60  }
0xb0: {  	[dreg:$0x2] =	wrdreg s2  }
0xb1: {  	[dreg:$0x3] =	wrdreg s18  }
0xb2: {  	[dreg:$0x4] =	wrdreg s4  }
0xb3: {  	[dreg:$0x5] =	wrdreg s24  }
0xb4: {  	[dreg:$0x6] =	wrdreg $0x9  }
0xb5: {  	_ =	task.clear_ibuf [dreg:s9], $0x7FFFF;
	_ =	strace $0x90000046  }
0xb6: {  	s29 =	simm.s32 $0x9;
	_ =	strace $0x80000048  }
0xb7: {  	_ =	swait.ge [sflag:s29], $0x1  }
0xb8: {  	[sflag:s29] =	ssyncadd.s32 $0xFFFFFFFF  }
0xb9: {  	_ =	strace $0x90000048  }
0xba: {  	_ =	sfence  }
0xbb: {  	s30 =	sld [smem:$0x0];
	_ =	sdelay $0x2  }
0xbc: {  	s31 =	sshll.u32 s1, $0xD;
	s1 =	sshrl.u32 s1, $0x2  }
0xbd: {  	s3 =	sand.u32 $0x4000, s31;
	s1 =	sadd.s32 s1, s30  }
0xbe: {  	s0 =	sor.u32 s3, s0;
	s1 =	sshll.u32 s1, $0x11  }
0xbf: {  	s0 =	sor.u32 s1, s0  }
0xc0: {  	s0 =	sadd.s32 $0x8F2B, s0  }
0xc1: {  	[sflag:s0] =	ssyncadd.remote.s32 $0x1  }
0xc2: {  	_ =	sfence.sel $0xFFFF  }
0xc3: {  	[dreg:$0x0] =	wrdreg $0xFFFFFFFF;
	(pc) =	sbr.abs _section_cstart, $3  }
0xc4: {  	[dreg:$0x1] =	wrdreg $0xFFFFFFFF  }
0xc5: {  	_ =	task.clear_ibuf [dreg:s9], $0x2FFFF;
	_ =	strace $0x9FFFFFFF  }
0xc6: {  	(tm) =	ssettm $0x7FFFFFFF  }
0xc7: {  	_ =	shalt  }
tec
execute0_lowered:
.L_overlay_start_1:
0x0: {  	(tag) =	ssettag $0x1  }
0x1: {  	s10 =	rddreg [dreg:$0x0]  }
0x2: {  	s11 =	rddreg [dreg:$0x1]  }
0x3: {  	s1 =	srdreg.scid;
	s12 =	rddreg [dreg:$0x2]  }
0x4: {  	s0 =	stileid.u32;
	s7 =	rddreg [dreg:$0x3]  }
0x5: {  	s2 =	simm.s32 $0x0;
	s9 =	simm.s32 $0x14;
	s19 =	simm.s32 $0x1  }
0x6: {  	s20 =	simm.s32 $0x2;
	s13 =	sand.u32 $0x1, s1;
	s24 =	smul.u32 $0x26, s0  }
0x7: {  	s22 =	sshll.u32 s0, $0x1;
	s23 =	sshrl.u32 s0, $0x2;
	s29 =	smul.u32 $0xBE00, s0  }
0x8: {  	[smem:$0x7FF] =	sst s2;
	s6 =	sor.u32 s13, s22;
	s17 =	smul.u32 $0x62000, s23  }
0x9: {  	_ =	strace $0x80000047;
	s4 =	ssub.s32 $0x2, s13;
	s25 =	smul.u32 $0x13, s13  }
0xa: {  	s13 =	smul.u32 $0x5F00, s13;
	s22 =	simm.s32 $0x400;
	s23 =	simm.s32 $0x3  }
0xb: {  	s3 =	smul.u32 $0x13, s6;
	s14 =	smin.u32 s6, $0x11;
	s5 =	sshrl.u32 s4, $0x1  }
0xc: {  	p0 =	slt.u32 s6, $0x11;
	s6 =	sshll.u32 s6, $0x7;
	s30 =	sadd.s32 s29, s10  }
0xd: {  	s16 =	ssub.s32 s4, s5;
	s9 =	simm.s32 @!p0 $0x13;
	s3 =	sadd.s32 s3, s14  }
0xe: {  	s6 =	sand.u32 $0x380, s6;
	s31 =	sadd.s32 s13, s30;
	s8 =	smul.u32 $0x500, s3  }
0xf: {  	s18 =	sshrl.u32 s9, $0x1;
	s17 =	sor.u32 s17, s6;
	s15 =	smul.u32 $0x140, s3  }
0x10: {  	s21 =	sand.u32 $0x1, s9;
	s9 =	sadd.s32 $0xFFFFFFFE, s9;
	s6 =	smul.u32 $0xA00, s18  }
0x11: {  	s26 =	sshrl.u32 s17, $0x3;
	s17 =	simm.s32 $0x13C00;
	s18 =	simm.s32 $0x16E80  }
0x12: {  	p0 =	seq.s32 s21, $0x0;
	s21 =	simm.s32 $0x80;
	s7 =	sadd.s32 s7, s26  }
0x13: {  	s3 =	sadd.s32 s10, s8;
	s4 =	sadd.s32 s11, s8;
	s8 =	sadd.s32 s24, s14  }
0x14: {  	s5 =	sadd.s32 s12, s15;
	s14 =	smul.u32 $0x500, s14;
	s8 =	sadd.s32 s25, s8  }
0x15: {  	s11 =	sadd.s32 s29, s11;
	s15 =	simm.s32 $0x16400;
	s28 =	smul.u32 $0x140, s8  }
0x16: {  	s24 =	simm.s32 $0x0;
	s13 =	sadd.s32 s13, s11;
	s8 =	smax.u32 s16, $0x1  }
0x17: {  	s11 =	sadd.s32 s14, s31;
	s16 =	simm.s32 $0xEC00;
	s12 =	sadd.s32 s28, s12  }
0x18: {  	s10 =	sadd.s32 $0x280, s12;
	s12 =	sadd.s32 s14, s13;
	s14 =	simm.s32 $0x11400  }
.LBB2_1:
0x19: {  	s0 =	simm.s32 $0xC400;
	p2 =	sne.s32 s6, $0xA00  }
0x1a: {  	[tilespmem:s0], [sflag:$0x1] =	stream.linear.gather [hbm4b:s3+s2], $0x2800, $0x38;
	[tilespmem:$0x17900] =	vst v63  }
.Ltmp0:
0x1b: {  	_ = 	snop;
	(pc) =	sbr.rel @!p2 .LBB2_2-.Ltmp0, $4  }
0x1c: {  	_ = 	snop  }
0x1d: {  	[tilespmem:s14], [sflag:$0x1] =	stream.linear.gather [hbm4b:s4+s2], $0x2800, $0x38;
	[tilespmem:$0x17900] =	vst v63  }
0x1e: {  	s25 =	simm.s32 $0xA00;
	s30 =	sadd.s32 $0x0, s11;
	p1 =	por $0x0, $0x0  }
0x1f: {  	[tilespmem:s15], [sflag:$0x1] =	stream.linear.gather [hbm4b:s5+s2], $0xA00, $0x38;
	[tilespmem:$0x17900] =	vst v63  }
0x20: {  	s26 =	sadd.s32 $0x500, s30;
	s28 =	sadd.s32 $0x0, s12  }
0x21: {  	[tilespmem:s16], [sflag:$0x2] =	stream.linear.gather [hbm4b:s26+s2], $0x2800, $0x38;
	[tilespmem:$0x17900] =	vst v63  }
0x22: {  	s13 =	sadd.s32 $0x500, s28  }
0x23: {  	[tilespmem:s17], [sflag:$0x2] =	stream.linear.gather [hbm4b:s13+s2], $0x2800, $0x38;
	[tilespmem:$0x17900] =	vst v63  }
0x24: {  	s31 =	sadd.s32 $0xFFFFFEC0, s10  }
0x25: {  	[tilespmem:s18], [sflag:$0x2] =	stream.linear.gather [hbm4b:s31+s2], $0xA00, $0x38;
	[tilespmem:$0x17900] =	vst v63  }
0x26: {  	_ =	swait.ge [sflag:s19], $0x2800  }
0x27: {  	[sflag:s19] =	ssyncset.done $0x0  }
0x28: {  	[sflag:s19] =	ssyncadd.s32 $0xFFFFD800  }
0x29: {  	_ =	swait.ge [sflag:s19], $0x2800  }
0x2a: {  	[sflag:s19] =	ssyncset.done $0x0  }
0x2b: {  	p1 =	sle.u32 s9, $0x0;
	[sflag:s19] =	ssyncadd.s32 $0xFFFFD800  }
0x2c: {  	s26 =	sadd.s32 @!p1 $0x0, s11;
	_ =	swait.ge [sflag:s19], $0xA00  }
0x2d: {  	s28 =	simm.s32 @!p1 $0x0;
	s29 =	simm.s32 @!p1 $0xC400;
	[sflag:s19] =	ssyncset.done $0x0  }
0x2e: {  	s30 =	sadd.s32 @!p1 $0x0, s12;
	s26 =	sadd.s32 @!p1 $0xA00, s26;
	[sflag:s19] =	ssyncadd.s32 $0xFFFFF600  }
0x2f: {  	[tilespmem:s29], [sflag:$0x1] =	stream.linear.gather @!p1 [hbm4b:s26+s28], $0x2800, $0x38;
	[tilespmem:$0x17900] =	vst v63  }
0x30: {  	s26 =	simm.s32 @!p1 $0x11400;
	s29 =	sadd.s32 @!p1 $0xA00, s30  }
0x31: {  	[tilespmem:s26], [sflag:$0x1] =	stream.linear.gather @!p1 [hbm4b:s29+s28], $0x2800, $0x38;
	[tilespmem:$0x17900] =	vst v63  }
0x32: {  	s26 =	simm.s32 @!p1 $0x16400  }
0x33: {  	[tilespmem:s26], [sflag:$0x1] =	stream.linear.gather @!p1 [hbm4b:s10+s28], $0xA00, $0x38;
	[tilespmem:$0x17900] =	vst v63  }
0x34: {  	_ =	swait.ge [sflag:s20], $0x2800  }
0x35: {  	p2 =	sne.s32 s6, $0x1400;
	[sflag:s20] =	ssyncset.done $0x0  }
.Ltmp1:
0x36: {  	[sflag:s20] =	ssyncadd.s32 $0xFFFFD800;
	(pc) =	sbr.rel @!p2 .LBB2_5-.Ltmp1, $4  }
0x37: {  	_ =	swait.ge [sflag:s20], $0x2800  }
0x38: {  	s30 =	sadd.s32 $0xA00, s11;
	[sflag:s20] =	ssyncset.done $0x0  }
0x39: {  	s29 =	simm.s32 $0x1400;
	s26 =	sadd.s32 $0x280, s10;
	[sflag:s20] =	ssyncadd.s32 $0xFFFFD800  }
0x3a: {  	s28 =	simm.s32 $0x2;
	p1 =	por $0x1, $0x1;
	_ =	swait.ge [sflag:s20], $0xA00  }
.LBB2_4:
0x3b: {  	s30 =	sadd.s32 $0x500, s30;
	s31 =	sadd.s32 s25, s12;
	[sflag:s20] =	ssyncset.done $0x0  }
0x3c: {  	s1 =	smov.u32 s29;
	s29 =	sadd.s32 $0xA00, s29;
	[sflag:s20] =	ssyncadd.s32 $0xFFFFF600  }
0x3d: {  	[tilespmem:s16], [sflag:$0x2] =	stream.linear.gather [hbm4b:s30+s2], $0x2800, $0x38;
	[tilespmem:$0x17900] =	vst v63  }
0x3e: {  	p2 =	sne.s32 s6, s29;
	s30 =	sadd.s32 $0x500, s31  }
0x3f: {  	[tilespmem:s17], [sflag:$0x2] =	stream.linear.gather [hbm4b:s30+s2], $0x2800, $0x38;
	[tilespmem:$0x17900] =	vst v63  }
0x40: {  	s30 =	sadd.s32 $0xFFFFFEC0, s26  }
0x41: {  	[tilespmem:s18], [sflag:$0x2] =	stream.linear.gather [hbm4b:s30+s2], $0xA00, $0x38;
	[tilespmem:$0x17900] =	vst v63  }
0x42: {  	_ =	swait.ge [sflag:s19], $0x2800  }
0x43: {  	[sflag:s19] =	ssyncset.done $0x0  }
0x44: {  	[sflag:s19] =	ssyncadd.s32 $0xFFFFD800  }
0x45: {  	_ =	swait.ge [sflag:s19], $0x2800  }
0x46: {  	[sflag:s19] =	ssyncset.done $0x0  }
0x47: {  	p3 =	sge.u32 s28, s9;
	[sflag:s19] =	ssyncadd.s32 $0xFFFFD800  }
0x48: {  	s31 =	simm.s32 @!p3 $0x0;
	s30 =	sadd.s32 @!p3 s25, s11;
	_ =	swait.ge [sflag:s19], $0xA00  }
0x49: {  	s0 =	simm.s32 @!p3 $0xC400;
	s30 =	sadd.s32 @!p3 $0xA00, s30;
	[sflag:s19] =	ssyncset.done $0x0  }
0x4a: {  	s13 =	simm.s32 @!p3 $0x11400;
	s25 =	sadd.s32 @!p3 s25, s12;
	[sflag:s19] =	ssyncadd.s32 $0xFFFFF600  }
0x4b: {  	[tilespmem:s0], [sflag:$0x1] =	stream.linear.gather @!p3 [hbm4b:s30+s31], $0x2800, $0x38;
	[tilespmem:$0x17900] =	vst v63  }
0x4c: {  	s0 =	sadd.s32 @!p3 $0xA00, s25;
	s30 =	simm.s32 @!p3 $0x16400;
	s25 =	smov.u32 s1  }
0x4d: {  	[tilespmem:s13], [sflag:$0x1] =	stream.linear.gather @!p3 [hbm4b:s0+s31], $0x2800, $0x38;
	[tilespmem:$0x17900] =	vst v63  }
0x4e: {  	_ = 	snop  }
0x4f: {  	[tilespmem:s30], [sflag:$0x1] =	stream.linear.gather @!p3 [hbm4b:s26+s31], $0xA00, $0x38;
	[tilespmem:$0x17900] =	vst v63  }
0x50: {  	_ =	swait.ge [sflag:s20], $0x2800  }
0x51: {  	[sflag:s20] =	ssyncset.done $0x0  }
.Ltmp2:
0x52: {  	[sflag:s20] =	ssyncadd.s32 $0xFFFFD800;
	(pc) =	sbr.rel @p2 .LBB2_4-.Ltmp2, $4  }
0x53: {  	_ =	swait.ge [sflag:s20], $0x2800  }
0x54: {  	[sflag:s20] =	ssyncset.done $0x0  }
0x55: {  	s26 =	sadd.s32 $0x280, s26;
	[sflag:s20] =	ssyncadd.s32 $0xFFFFD800  }
0x56: {  	s28 =	sadd.s32 $0x2, s28;
	s30 =	sadd.s32 s25, s11;
	_ =	swait.ge [sflag:s20], $0xA00  }
.LBB2_5:
0x57: {  	[sflag:s20] =	ssyncset.done @p1 $0x0  }
0x58: {  	s0 =	sadd.s32 $0x500, s30;
	s1 =	sadd.s32 s25, s12;
	[sflag:s20] =	ssyncadd.s32 @p1 $0xFFFFF600  }
0x59: {  	[tilespmem:s16], [sflag:$0x2] =	stream.linear.gather [hbm4b:s0+s2], $0x2800, $0x38;
	[tilespmem:$0x17900] =	vst v63  }
0x5a: {  	s30 =	sadd.s32 $0x500, s1  }
0x5b: {  	[tilespmem:s17], [sflag:$0x2] =	stream.linear.gather [hbm4b:s30+s2], $0x2800, $0x38;
	[tilespmem:$0x17900] =	vst v63  }
0x5c: {  	s31 =	sadd.s32 $0xFFFFFEC0, s26  }
0x5d: {  	[tilespmem:s18], [sflag:$0x2] =	stream.linear.gather [hbm4b:s31+s2], $0xA00, $0x38;
	[tilespmem:$0x17900] =	vst v63  }
0x5e: {  	_ =	swait.ge [sflag:s19], $0x2800  }
0x5f: {  	[sflag:s19] =	ssyncset.done $0x0  }
0x60: {  	[sflag:s19] =	ssyncadd.s32 $0xFFFFD800  }
0x61: {  	_ =	swait.ge [sflag:s19], $0x2800  }
0x62: {  	[sflag:s19] =	ssyncset.done $0x0  }
0x63: {  	p1 =	sge.u32 s28, s9;
	[sflag:s19] =	ssyncadd.s32 $0xFFFFD800  }
0x64: {  	s0 =	sadd.s32 @!p1 s25, s11;
	_ =	swait.ge [sflag:s19], $0xA00  }
0x65: {  	s1 =	simm.s32 @!p1 $0x0;
	s13 =	simm.s32 @!p1 $0xC400;
	[sflag:s19] =	ssyncset.done $0x0  }
0x66: {  	s25 =	sadd.s32 @!p1 s25, s12;
	s0 =	sadd.s32 @!p1 $0xA00, s0;
	[sflag:s19] =	ssyncadd.s32 $0xFFFFF600  }
0x67: {  	[tilespmem:s13], [sflag:$0x1] =	stream.linear.gather @!p1 [hbm4b:s0+s1], $0x2800, $0x38;
	[tilespmem:$0x17900] =	vst v63  }
0x68: {  	s0 =	simm.s32 @!p1 $0x11400;
	s13 =	sadd.s32 @!p1 $0xA00, s25  }
0x69: {  	[tilespmem:s0], [sflag:$0x1] =	stream.linear.gather @!p1 [hbm4b:s13+s1], $0x2800, $0x38;
	[tilespmem:$0x17900] =	vst v63  }
0x6a: {  	s0 =	simm.s32 @!p1 $0x16400  }
0x6b: {  	[tilespmem:s0], [sflag:$0x1] =	stream.linear.gather @!p1 [hbm4b:s26+s1], $0xA00, $0x38;
	[tilespmem:$0x17900] =	vst v63  }
0x6c: {  	_ =	swait.ge [sflag:s20], $0x2800  }
0x6d: {  	[sflag:s20] =	ssyncset.done $0x0  }
0x6e: {  	[sflag:s20] =	ssyncadd.s32 $0xFFFFD800  }
0x6f: {  	_ =	swait.ge [sflag:s20], $0x2800  }
0x70: {  	[sflag:s20] =	ssyncset.done $0x0  }
0x71: {  	[sflag:s20] =	ssyncadd.s32 $0xFFFFD800  }
0x72: {  	_ =	swait.ge [sflag:s20], $0xA00  }
0x73: {  	[sflag:s20] =	ssyncset.done $0x0  }
0x74: {  	s0 =	simm.s32 @!p0 $0x1;
	[sflag:s20] =	ssyncadd.s32 $0xFFFFF600  }
0x75: {  	_ =	swait.ge @!p0 [sflag:s0], $0x2800  }
0x76: {  	[sflag:s0] =	ssyncset.done @!p0 $0x0  }
0x77: {  	[sflag:s0] =	ssyncadd.s32 @!p0 $0xFFFFD800  }
0x78: {  	_ =	swait.ge @!p0 [sflag:s0], $0x2800  }
0x79: {  	[sflag:s0] =	ssyncset.done @!p0 $0x0  }
0x7a: {  	[sflag:s0] =	ssyncadd.s32 @!p0 $0xFFFFD800  }
0x7b: {  	_ =	swait.ge @!p0 [sflag:s0], $0xA00  }
0x7c: {  	s24 =	sadd.s32 $0x1, s24;
	[sflag:s0] =	ssyncset.done @!p0 $0x0  }
0x7d: {  	p1 =	sne.s32 s24, s8;
	[sflag:s0] =	ssyncadd.s32 @!p0 $0xFFFFF600  }
0x7e: {  	[hbm4b:s7+s21] =	stream.strided.scatter [tilespmem:s2], [sflag:$0x3], $0xC400, s22, s21, $0x38;
	[tilespmem:$0x17900] =	vst v63  }
.Ltmp3:
0x7f: {  	_ = 	snop;
	(pc) =	sbr.rel @p1 .LBB2_1-.Ltmp3, $4  }
.Ltmp4:
0x80: {  	_ = 	snop;
	(pc) =	sbr.rel @!p1 .LBB2_6-.Ltmp4, $4  }
0x81: {  	_ =	swait.ge [sflag:s23], $0xC400  }
0x82: {  	[sflag:s23] =	ssyncset.done $0x0  }
0x83: {  	[sflag:s23] =	ssyncadd.s32 $0xFFFF3C00  }
0x84: {  	_ = 	snop  }
.LBB2_2:
.Ltmp5:
0x85: {  	(pc) =	sbr.rel .LBB2_5-.Ltmp5, $2  }
0x86: {  	_ =	sdelay $0x2  }
0x87: {  	s25 =	simm.s32 $0x0;
	s26 =	smov.u32 s10;
	s28 =	simm.s32 $0x0  }
.LBB2_6:
0x88: {  	_ =	sfence.sel $0x180000  }
0x89: {  	[bflag:$0x0] =	sbarrier.arrive $0xFFFF  }
0x8a: {  	_ =	strace $0x90000047  }
0x8b: {  	s0 =	stileid.u32;
	[bflag:$0x2] =	sbarrier.arrive $0xFFFF  }
0x8c: {  	p0 =	sne.s32 s0, $0x0;
	s0 =	rddreg [dreg:$0x4]  }
0x8d: {  	s0 =	sadd.s32 @!p0 $0x100000, s0  }
0x8e: {  	[sflag:s0] =	ssyncadd.tile.s32 @!p0 $0x1;
	_ =	shalt  }
.Lfunc_end2:
_tile_overlayer_lowered:
.L_overlay_start_2:
0x8f: {  	(tag) =	ssettag $0x2  }
0x90: {  	s0 =	rddreg [dreg:$0x0];
	s2 =	stileid.u32  }
0x91: {  	s1 =	rddreg [dreg:$0x1];
	p0 =	sne.s32 s2, $0x0  }
0x92: {  	s3 =	rddreg [dreg:$0x2];
	[bflag:$0x3] =	sbarrier.arrive $0xFFFF;
	s2 =	simm.s32 @!p0 $0x1C03  }
0x93: {  	[timem:s3], [sflag:s2] =	dma.local @!p0 [hbm:s0], s1  }
0x94: {  	s0 =	simm.s32 @!p0 $0x3  }
0x95: {  	_ =	swait.ge @!p0 [sflag:s0], s1  }
0x96: {  	s1 =	ssub.s32 @!p0 $0x0, s1;
	[sflag:s0] =	ssyncset.done @!p0 $0x0  }
0x97: {  	[sflag:s0] =	ssyncadd.s32 @!p0 s1  }
0x98: {  	[bflag:$0x3] =	sbarrier.arrive $0xFFFF  }
0x99: {  	_ =	shalt  }

</sc_bundles>
